<compile_context>
chip_gen: v7x
topology: tpu7x:2x2x1
jax: 0.10.2.dev20260603
libtpu: 0.0.44.dev20260713+nightly
codegen_flags: <defaults>
</compile_context>

<pallas_src>
import functools

import numpy as np
import jax
import jax.numpy as jnp
from jax import lax
from jax.experimental import pallas as pl
from jax.experimental.pallas import tpu as pltpu
from jax.experimental.pallas import tpu_sc as plsc

_B = 1024
_L = 200
_D = 128
_NC = 2
_NS = 16
_NW = _NC * _NS
_SEQ_PER_W = _B // _NW
_ROWS_PER_W = _SEQ_PER_W * _L
_LANES = 16
_NBUF = 3


def _sin_pe(seq_len, d_model):
    pos = np.arange(seq_len, dtype=np.float32)[:, None]
    div = np.exp(np.arange(0, d_model, 2, dtype=np.float32)
                 * (-np.log(10000.0) / d_model))
    ang = pos * div[None, :]
    pe = np.zeros((seq_len, d_model), dtype=np.float32)
    pe[:, 0::2] = np.sin(ang)
    pe[:, 1::2] = np.cos(ang)
    return pe


_PE = _sin_pe(_L, _D)


def _make_sc_kernel():
    mesh = plsc.VectorSubcoreMesh(core_axis_name="c", subcore_axis_name="s")

    @functools.partial(
        pl.kernel,
        mesh=mesh,
        out_type=(
            jax.ShapeDtypeStruct((_B * _L, _D), jnp.float32),
            jax.ShapeDtypeStruct((_B * _L,), jnp.int32),
        ),
        scratch_types=[
            pltpu.VMEM((_ROWS_PER_W,), jnp.int32),
            pltpu.VMEM((_NBUF, _L, _D), jnp.float32),
            pltpu.VMEM((_L, _D), jnp.float32),
            pltpu.VMEM((_ROWS_PER_W,), jnp.int32),
            pltpu.SemaphoreType.DMA((_NBUF,)),
            pltpu.SemaphoreType.DMA((_NBUF,)),
        ],
    )
    def emb_kernel(x_hbm, table_hbm, pe_hbm,
                   out_hbm, mask_hbm,
                   idx_v, rows_v, pe_v, mask_v, sg, ss):
        wid = lax.axis_index("s") * _NC + lax.axis_index("c")
        base = wid * _ROWS_PER_W

        pltpu.sync_copy(x_hbm.at[pl.ds(base, _ROWS_PER_W)], idx_v)
        pltpu.sync_copy(pe_hbm, pe_v)

        def start_gather(j, b):
            off = j * _L
            pltpu.async_copy(
                table_hbm.at[idx_v.at[pl.ds(off, 128)]],
                rows_v.at[b, pl.ds(0, 128)], sg.at[b])
            pltpu.async_copy(
                table_hbm.at[idx_v.at[pl.ds(off + 128, _L - 128)]],
                rows_v.at[b, pl.ds(128, _L - 128)], sg.at[b])

        def wait_gather(b):
            pltpu.make_async_copy(
                out_hbm.at[pl.ds(0, _L)], rows_v.at[b], sg.at[b]).wait()

        def start_scatter(j, b):
            pltpu.async_copy(
                rows_v.at[b], out_hbm.at[pl.ds(base + j * _L, _L)], ss.at[b])

        def wait_scatter(b):
            pltpu.make_async_copy(
                rows_v.at[b], out_hbm.at[pl.ds(0, _L)], ss.at[b]).wait()

        start_gather(0, 0)

        def seq_body(j, carry):
            b = j % _NBUF
            bn = (j + 1) % _NBUF

            @pl.when(j >= _NBUF - 1)
            def _():
                wait_scatter(bn)

            @pl.when(j + 1 < _SEQ_PER_W)
            def _():
                start_gather(j + 1, bn)

            wait_gather(b)

            @plsc.parallel_loop(0, _L, unroll=4)
            def add_body(r):
                for c in range(_D // _LANES):
                    sl = pl.ds(c * _LANES, _LANES)
                    plsc.addupdate(rows_v.at[b, r, sl], pe_v[r, sl])

            start_scatter(j, b)
            return carry

        lax.fori_loop(0, _SEQ_PER_W, seq_body, 0)

        def mask_body(i, carry):
            v = idx_v[pl.ds(i * _LANES, _LANES)]
            mask_v[pl.ds(i * _LANES, _LANES)] = jnp.where(
                v == 0, jnp.full((_LANES,), 1, jnp.int32),
                jnp.full((_LANES,), 0, jnp.int32))
            return carry

        lax.fori_loop(0, _ROWS_PER_W // _LANES, mask_body, 0)
        pltpu.sync_copy(mask_v, mask_hbm.at[pl.ds(base, _ROWS_PER_W)])

        wait_scatter((_SEQ_PER_W - 2) % _NBUF)
        wait_scatter((_SEQ_PER_W - 1) % _NBUF)

    return emb_kernel


_EMB_KERNEL = _make_sc_kernel()


def kernel(x, emb_table):
    x32 = x.astype(jnp.int32).reshape(_B * _L)
    pe = jnp.asarray(_PE)
    h_flat, mask_i32 = _EMB_KERNEL(x32, emb_table, pe)
    h = h_flat.reshape(_B, _L, _D)
    padding_mask = mask_i32.reshape(_B, _L).astype(bool)
    return h, padding_mask

# --- scband reference (transcript-rebuilt; emitter-appended) ---
"""Pipeline reference for scband-pre-continuous-block-10213432230093 (READ-ONLY COPY).

The authoritative reference and input builder live on the scoring server;
editing this copy changes nothing except your own understanding.
"""

import jax, jax.numpy as jnp
import numpy as np

VOCAB = 15514
D_MODEL = 128


def _sinusoidal_pe(seq_len, d_model):
    pos = jnp.arange(seq_len, dtype=jnp.float32)[:, None]
    div = jnp.exp(jnp.arange(0, d_model, 2, dtype=jnp.float32) * (-np.log(10000.0) / d_model))
    ang = pos * div[None, :]
    pe = jnp.zeros((seq_len, d_model), dtype=jnp.float32)
    pe = pe.at[:, 0::2].set(jnp.sin(ang))
    pe = pe.at[:, 1::2].set(jnp.cos(ang))
    return pe


def setup_inputs(seed: int = 0) -> dict:
    key = jax.random.key(seed)
    k1, k2 = jax.random.split(key)
    x = jax.random.randint(k1, (1024, 200), 0, VOCAB, dtype=jnp.int64)
    emb_table = jax.random.normal(k2, (VOCAB, D_MODEL), dtype=jnp.float32) * 0.02
    return {"x": x, "emb_table": emb_table}


def reference(x, emb_table):
    # padding mask: positions equal to token id 0
    padding_mask = (x == 0)
    # embedding lookup (gather)
    h = jnp.take(emb_table, x, axis=0)  # [B, L, D]
    # positional encoding (additive sinusoidal)
    pe = _sinusoidal_pe(h.shape[1], h.shape[2])
    h = h + pe[None, :, :]
    return h, padding_mask

if __name__ == "__main__":
    import jax
    _d = setup_inputs()
    print(jax.jit(kernel)(*tuple(_d.values())))

</pallas_src>

<mosaic_0001>
#map = affine_map<(d0, d1) -> (0)>
#map1 = affine_map<(d0, d1) -> (0, 0)>
module attributes {stable_mosaic.version = 14 : i64} {
  func.func @emb_kernel(%arg0: i32, %arg1: i32, %arg2: memref<204800xi32, #tpu.memory_space<hbm>>, %arg3: memref<15514x128xf32, #tpu.memory_space<hbm>>, %arg4: memref<200x128xf32, #tpu.memory_space<hbm>>, %arg5: memref<204800x128xf32, #tpu.memory_space<hbm>>, %arg6: memref<204800xi32, #tpu.memory_space<hbm>>, %arg7: memref<6400xi32, #tpu.memory_space<vmem>>, %arg8: memref<3x200x128xf32, #tpu.memory_space<vmem>>, %arg9: memref<200x128xf32, #tpu.memory_space<vmem>>, %arg10: memref<6400xi32, #tpu.memory_space<vmem>>, %arg11: memref<3x!tpu.dma_semaphore, #tpu.memory_space<semaphore_mem>>, %arg12: memref<3x!tpu.dma_semaphore, #tpu.memory_space<semaphore_mem>>) attributes {dimension_semantics = [#tpu.dimension_semantics<core_parallel>, #tpu.dimension_semantics<subcore_parallel>], iteration_bounds = array<i64: 2, 16>, scalar_prefetch = 0 : i64, scratch_operands = 6 : i64, tpu.core_type = #tpu.core_type<sc_vector_subcore>, window_params = [{transform_indices = #map}, {transform_indices = #map1}, {transform_indices = #map1}, {transform_indices = #map1}, {transform_indices = #map}]} {
    %mul3A = arith.constant 2 : i32
    %mul3A_0 = arith.muli %arg1, %mul3A : i32
    %add3A = arith.addi %mul3A_0, %arg0 : i32
    %mul3A_1 = arith.constant 6400 : i32
    %mul3A_2 = arith.muli %add3A, %mul3A_1 : i32
    "tpu.region"() ({
      %run_scoped3A = tpu.sem_alloc : memref<!tpu.dma_semaphore, #tpu.memory_space<semaphore_mem>>
      %dma_start3A_74 = tpu.memref_slice %arg2[%mul3A_2] : memref<204800xi32, #tpu.memory_space<hbm>> -> memref<6400xi32, #tpu.memory_space<hbm>>
      %dma_start3A_75 = tpu.memref_slice %arg2[%mul3A_2] : memref<204800xi32, #tpu.memory_space<hbm>> -> memref<6400xi32, #tpu.memory_space<hbm>>
      tpu.enqueue_dma source(%dma_start3A_75 : memref<6400xi32, #tpu.memory_space<hbm>>) target(%arg7 : memref<6400xi32, #tpu.memory_space<vmem>>) target_semaphore(%run_scoped3A : memref<!tpu.dma_semaphore, #tpu.memory_space<semaphore_mem>>)
      %dma_wait3A_76 = tpu.memref_slice %arg2[%mul3A_2] : memref<204800xi32, #tpu.memory_space<hbm>> -> memref<6400xi32, #tpu.memory_space<hbm>>
      %dma_wait3A_77 = tpu.memref_slice %arg2[%mul3A_2] : memref<204800xi32, #tpu.memory_space<hbm>> -> memref<6400xi32, #tpu.memory_space<hbm>>
      tpu.wait_dma2 semaphore(%run_scoped3A : memref<!tpu.dma_semaphore, #tpu.memory_space<semaphore_mem>>) src(%dma_wait3A_77 : memref<6400xi32, #tpu.memory_space<hbm>>) dst(%arg7 : memref<6400xi32, #tpu.memory_space<vmem>>)
      tpu.yield
    }) : () -> ()
    "tpu.region"() ({
      %run_scoped3A = tpu.sem_alloc : memref<!tpu.dma_semaphore, #tpu.memory_space<semaphore_mem>>
      tpu.enqueue_dma source(%arg4 : memref<200x128xf32, #tpu.memory_space<hbm>>) target(%arg9 : memref<200x128xf32, #tpu.memory_space<vmem>>) target_semaphore(%run_scoped3A : memref<!tpu.dma_semaphore, #tpu.memory_space<semaphore_mem>>)
      tpu.wait_dma2 semaphore(%run_scoped3A : memref<!tpu.dma_semaphore, #tpu.memory_space<semaphore_mem>>) src(%arg4 : memref<200x128xf32, #tpu.memory_space<hbm>>) dst(%arg9 : memref<200x128xf32, #tpu.memory_space<vmem>>)
      tpu.yield
    }) : () -> ()
    %dma_start3A = arith.constant 0 : i32
    %dma_start3A_3 = arith.constant 0 : i32
    %dma_start3A_4 = arith.constant 0 : i32
    %dma_start3A_5 = arith.constant 0 : i32
    %dma_start3A_6 = tpu.memref_slice %arg8[%dma_start3A, %dma_start3A_4, %dma_start3A_5] : memref<3x200x128xf32, #tpu.memory_space<vmem>> -> memref<1x128x128xf32, #tpu.memory_space<vmem>>
    %dma_start3A_7 = tpu.memref_squeeze %dma_start3A_6 : memref<1x128x128xf32, #tpu.memory_space<vmem>> -> memref<128x128xf32, #tpu.memory_space<vmem>>
    %dma_start3A_8 = arith.constant 0 : i32
    %dma_start3A_9 = tpu.memref_slice %arg7[%dma_start3A_8] : memref<6400xi32, #tpu.memory_space<vmem>> -> memref<128xi32, #tpu.memory_space<vmem>>
    %dma_start3A_10 = arith.constant 0 : i32
    %dma_start3A_11 = arith.constant 0 : i32
    %dma_start3A_12 = tpu.memref_slice %arg3[%dma_start3A_10, %dma_start3A_11] : memref<15514x128xf32, #tpu.memory_space<hbm>> -> memref<15514x128xf32, #tpu.memory_space<hbm>>
    %dma_start3A_13 = tpu.memref_slice %arg11[%dma_start3A_3] : memref<3x!tpu.dma_semaphore, #tpu.memory_space<semaphore_mem>> -> memref<1x!tpu.dma_semaphore, #tpu.memory_space<semaphore_mem>>
    %dma_start3A_14 = tpu.memref_squeeze %dma_start3A_13 : memref<1x!tpu.dma_semaphore, #tpu.memory_space<semaphore_mem>> -> memref<!tpu.dma_semaphore, #tpu.memory_space<semaphore_mem>>
    tpu.enqueue_indirect_dma source(%dma_start3A_12 : memref<15514x128xf32, #tpu.memory_space<hbm>>) target(%dma_start3A_7 : memref<128x128xf32, #tpu.memory_space<vmem>>) offsets(%dma_start3A_9 : memref<128xi32, #tpu.memory_space<vmem>>) semaphore(%dma_start3A_14 : memref<!tpu.dma_semaphore, #tpu.memory_space<semaphore_mem>>)
    %dma_start3A_15 = arith.constant 0 : i32
    %dma_start3A_16 = arith.constant 0 : i32
    %dma_start3A_17 = arith.constant 128 : i32
    %dma_start3A_18 = arith.constant 0 : i32
    %dma_start3A_19 = tpu.memref_slice %arg8[%dma_start3A_15, %dma_start3A_17, %dma_start3A_18] : memref<3x200x128xf32, #tpu.memory_space<vmem>> -> memref<1x72x128xf32, #tpu.memory_space<vmem>>
    %dma_start3A_20 = tpu.memref_squeeze %dma_start3A_19 : memref<1x72x128xf32, #tpu.memory_space<vmem>> -> memref<72x128xf32, #tpu.memory_space<vmem>>
    %dma_start3A_21 = arith.constant 128 : i32
    %dma_start3A_22 = tpu.memref_slice %arg7[%dma_start3A_21] : memref<6400xi32, #tpu.memory_space<vmem>> -> memref<72xi32, #tpu.memory_space<vmem>>
    %dma_start3A_23 = arith.constant 0 : i32
    %dma_start3A_24 = arith.constant 0 : i32
    %dma_start3A_25 = tpu.memref_slice %arg3[%dma_start3A_23, %dma_start3A_24] : memref<15514x128xf32, #tpu.memory_space<hbm>> -> memref<15514x128xf32, #tpu.memory_space<hbm>>
    %dma_start3A_26 = tpu.memref_slice %arg11[%dma_start3A_16] : memref<3x!tpu.dma_semaphore, #tpu.memory_space<semaphore_mem>> -> memref<1x!tpu.dma_semaphore, #tpu.memory_space<semaphore_mem>>
    %dma_start3A_27 = tpu.memref_squeeze %dma_start3A_26 : memref<1x!tpu.dma_semaphore, #tpu.memory_space<semaphore_mem>> -> memref<!tpu.dma_semaphore, #tpu.memory_space<semaphore_mem>>
    tpu.enqueue_indirect_dma source(%dma_start3A_25 : memref<15514x128xf32, #tpu.memory_space<hbm>>) target(%dma_start3A_20 : memref<72x128xf32, #tpu.memory_space<vmem>>) offsets(%dma_start3A_22 : memref<72xi32, #tpu.memory_space<vmem>>) semaphore(%dma_start3A_27 : memref<!tpu.dma_semaphore, #tpu.memory_space<semaphore_mem>>)
    %scan3A = arith.constant 0 : i32
    %scan3A_28 = arith.constant 0 : i32
    %scan3A_29 = arith.constant 32 : i32
    %scan3A_30 = arith.addi %scan3A_28, %scan3A_29 : i32
    %scan3A_31 = arith.constant 1 : i32
    scf.for %scan3A_74 = %scan3A_28 to %scan3A_30 step %scan3A_31  : i32 {
      %jit3A = arith.constant 3 : i32
      %eq3A = arith.constant 0 : i32
      %eq3A_75 = arith.cmpi eq, %jit3A, %eq3A : i32
      %jit3A_76 = arith.constant 1 : i32
      %select_n3A = arith.select %eq3A_75, %jit3A_76, %jit3A : i32
      %rem3A = arith.remsi %scan3A_74, %select_n3A : i32
      %ne3A = arith.constant 0 : i32
      %ne3A_77 = arith.cmpi ne, %rem3A, %ne3A : i32
      %lt3A = arith.constant 0 : i32
      %lt3A_78 = arith.cmpi slt, %rem3A, %lt3A : i32
      %lt3A_79 = arith.constant 0 : i32
      %lt3A_80 = arith.cmpi slt, %select_n3A, %lt3A_79 : i32
      %ne3A_81 = arith.xori %lt3A_78, %lt3A_80 : i1
      %and3A = arith.andi %ne3A_81, %ne3A_77 : i1
      %add3A_82 = arith.addi %rem3A, %select_n3A : i32
      %select_n3A_83 = arith.select %and3A, %add3A_82, %rem3A : i32
      %add3A_84 = arith.constant 1 : i32
      %add3A_85 = arith.addi %scan3A_74, %add3A_84 : i32
      %jit3A_86 = arith.constant 3 : i32
      %eq3A_87 = arith.constant 0 : i32
      %eq3A_88 = arith.cmpi eq, %jit3A_86, %eq3A_87 : i32
      %jit3A_89 = arith.constant 1 : i32
      %select_n3A_90 = arith.select %eq3A_88, %jit3A_89, %jit3A_86 : i32
      %rem3A_91 = arith.remsi %add3A_85, %select_n3A_90 : i32
      %ne3A_92 = arith.constant 0 : i32
      %ne3A_93 = arith.cmpi ne, %rem3A_91, %ne3A_92 : i32
      %lt3A_94 = arith.constant 0 : i32
      %lt3A_95 = arith.cmpi slt, %rem3A_91, %lt3A_94 : i32
      %lt3A_96 = arith.constant 0 : i32
      %lt3A_97 = arith.cmpi slt, %select_n3A_90, %lt3A_96 : i32
      %ne3A_98 = arith.xori %lt3A_95, %lt3A_97 : i1
      %and3A_99 = arith.andi %ne3A_98, %ne3A_93 : i1
      %add3A_100 = arith.addi %rem3A_91, %select_n3A_90 : i32
      %select_n3A_101 = arith.select %and3A_99, %add3A_100, %rem3A_91 : i32
      %ge3A = arith.constant 2 : i32
      %ge3A_102 = arith.cmpi sge, %scan3A_74, %ge3A : i32
      %convert_element_type3A = arith.extui %ge3A_102 : i1 to i32
      %cond3A = arith.constant 0 : i32
      %cond3A_103 = arith.cmpi ne, %convert_element_type3A, %cond3A : i32
      scf.if %cond3A_103 {
        %dma_wait3A_146 = arith.constant 0 : i32
        %dma_wait3A_147 = arith.constant 0 : i32
        %dma_wait3A_148 = tpu.memref_slice %arg8[%select_n3A_101, %dma_wait3A_146, %dma_wait3A_147] : memref<3x200x128xf32, #tpu.memory_space<vmem>> -> memref<1x200x128xf32, #tpu.memory_space<vmem>>
        %dma_wait3A_149 = tpu.memref_squeeze %dma_wait3A_148 : memref<1x200x128xf32, #tpu.memory_space<vmem>> -> memref<200x128xf32, #tpu.memory_space<vmem>>
        %dma_wait3A_150 = arith.constant 0 : i32
        %dma_wait3A_151 = arith.constant 0 : i32
        %dma_wait3A_152 = tpu.memref_slice %arg5[%dma_wait3A_150, %dma_wait3A_151] : memref<204800x128xf32, #tpu.memory_space<hbm>> -> memref<200x128xf32, #tpu.memory_space<hbm>>
        %dma_wait3A_153 = tpu.memref_slice %arg12[%select_n3A_101] : memref<3x!tpu.dma_semaphore, #tpu.memory_space<semaphore_mem>> -> memref<1x!tpu.dma_semaphore, #tpu.memory_space<semaphore_mem>>
        %dma_wait3A_154 = tpu.memref_squeeze %dma_wait3A_153 : memref<1x!tpu.dma_semaphore, #tpu.memory_space<semaphore_mem>> -> memref<!tpu.dma_semaphore, #tpu.memory_space<semaphore_mem>>
        %dma_wait3A_155 = arith.constant 0 : i32
        %dma_wait3A_156 = arith.constant 0 : i32
        %dma_wait3A_157 = tpu.memref_slice %arg5[%dma_wait3A_155, %dma_wait3A_156] : memref<204800x128xf32, #tpu.memory_space<hbm>> -> memref<200x128xf32, #tpu.memory_space<hbm>>
        %dma_wait3A_158 = arith.constant 0 : i32
        %dma_wait3A_159 = arith.constant 0 : i32
        %dma_wait3A_160 = tpu.memref_slice %arg8[%select_n3A_101, %dma_wait3A_158, %dma_wait3A_159] : memref<3x200x128xf32, #tpu.memory_space<vmem>> -> memref<1x200x128xf32, #tpu.memory_space<vmem>>
        %dma_wait3A_161 = tpu.memref_squeeze %dma_wait3A_160 : memref<1x200x128xf32, #tpu.memory_space<vmem>> -> memref<200x128xf32, #tpu.memory_space<vmem>>
        tpu.wait_dma2 semaphore(%dma_wait3A_154 : memref<!tpu.dma_semaphore, #tpu.memory_space<semaphore_mem>>) src(%dma_wait3A_161 : memref<200x128xf32, #tpu.memory_space<vmem>>) dst(%dma_wait3A_157 : memref<200x128xf32, #tpu.memory_space<hbm>>)
      } else {
      }
      %add3A_104 = arith.constant 1 : i32
      %add3A_105 = arith.addi %scan3A_74, %add3A_104 : i32
      %lt3A_106 = arith.constant 32 : i32
      %lt3A_107 = arith.cmpi slt, %add3A_105, %lt3A_106 : i32
      %convert_element_type3A_108 = arith.extui %lt3A_107 : i1 to i32
      %cond3A_109 = arith.constant 0 : i32
      %cond3A_110 = arith.cmpi ne, %convert_element_type3A_108, %cond3A_109 : i32
      scf.if %cond3A_110 {
        %add3A_146 = arith.constant 1 : i32
        %add3A_147 = arith.addi %scan3A_74, %add3A_146 : i32
        %mul3A_148 = arith.constant 200 : i32
        %mul3A_149 = arith.muli %add3A_147, %mul3A_148 : i32
        %dma_start3A_150 = arith.constant 0 : i32
        %dma_start3A_151 = arith.constant 0 : i32
        %dma_start3A_152 = tpu.memref_slice %arg8[%select_n3A_101, %dma_start3A_150, %dma_start3A_151] : memref<3x200x128xf32, #tpu.memory_space<vmem>> -> memref<1x128x128xf32, #tpu.memory_space<vmem>>
        %dma_start3A_153 = tpu.memref_squeeze %dma_start3A_152 : memref<1x128x128xf32, #tpu.memory_space<vmem>> -> memref<128x128xf32, #tpu.memory_space<vmem>>
        %dma_start3A_154 = tpu.memref_slice %arg7[%mul3A_149] : memref<6400xi32, #tpu.memory_space<vmem>> -> memref<128xi32, #tpu.memory_space<vmem>>
        %dma_start3A_155 = arith.constant 0 : i32
        %dma_start3A_156 = arith.constant 0 : i32
        %dma_start3A_157 = tpu.memref_slice %arg3[%dma_start3A_155, %dma_start3A_156] : memref<15514x128xf32, #tpu.memory_space<hbm>> -> memref<15514x128xf32, #tpu.memory_space<hbm>>
        %dma_start3A_158 = tpu.memref_slice %arg11[%select_n3A_101] : memref<3x!tpu.dma_semaphore, #tpu.memory_space<semaphore_mem>> -> memref<1x!tpu.dma_semaphore, #tpu.memory_space<semaphore_mem>>
        %dma_start3A_159 = tpu.memref_squeeze %dma_start3A_158 : memref<1x!tpu.dma_semaphore, #tpu.memory_space<semaphore_mem>> -> memref<!tpu.dma_semaphore, #tpu.memory_space<semaphore_mem>>
        tpu.enqueue_indirect_dma source(%dma_start3A_157 : memref<15514x128xf32, #tpu.memory_space<hbm>>) target(%dma_start3A_153 : memref<128x128xf32, #tpu.memory_space<vmem>>) offsets(%dma_start3A_154 : memref<128xi32, #tpu.memory_space<vmem>>) semaphore(%dma_start3A_159 : memref<!tpu.dma_semaphore, #tpu.memory_space<semaphore_mem>>)
        %add3A_160 = arith.constant 128 : i32
        %add3A_161 = arith.addi %mul3A_149, %add3A_160 : i32
        %dma_start3A_162 = arith.constant 128 : i32
        %dma_start3A_163 = arith.constant 0 : i32
        %dma_start3A_164 = tpu.memref_slice %arg8[%select_n3A_101, %dma_start3A_162, %dma_start3A_163] : memref<3x200x128xf32, #tpu.memory_space<vmem>> -> memref<1x72x128xf32, #tpu.memory_space<vmem>>
        %dma_start3A_165 = tpu.memref_squeeze %dma_start3A_164 : memref<1x72x128xf32, #tpu.memory_space<vmem>> -> memref<72x128xf32, #tpu.memory_space<vmem>>
        %dma_start3A_166 = tpu.memref_slice %arg7[%add3A_161] : memref<6400xi32, #tpu.memory_space<vmem>> -> memref<72xi32, #tpu.memory_space<vmem>>
        %dma_start3A_167 = arith.constant 0 : i32
        %dma_start3A_168 = arith.constant 0 : i32
        %dma_start3A_169 = tpu.memref_slice %arg3[%dma_start3A_167, %dma_start3A_168] : memref<15514x128xf32, #tpu.memory_space<hbm>> -> memref<15514x128xf32, #tpu.memory_space<hbm>>
        %dma_start3A_170 = tpu.memref_slice %arg11[%select_n3A_101] : memref<3x!tpu.dma_semaphore, #tpu.memory_space<semaphore_mem>> -> memref<1x!tpu.dma_semaphore, #tpu.memory_space<semaphore_mem>>
        %dma_start3A_171 = tpu.memref_squeeze %dma_start3A_170 : memref<1x!tpu.dma_semaphore, #tpu.memory_space<semaphore_mem>> -> memref<!tpu.dma_semaphore, #tpu.memory_space<semaphore_mem>>
        tpu.enqueue_indirect_dma source(%dma_start3A_169 : memref<15514x128xf32, #tpu.memory_space<hbm>>) target(%dma_start3A_165 : memref<72x128xf32, #tpu.memory_space<vmem>>) offsets(%dma_start3A_166 : memref<72xi32, #tpu.memory_space<vmem>>) semaphore(%dma_start3A_171 : memref<!tpu.dma_semaphore, #tpu.memory_space<semaphore_mem>>)
      } else {
      }
      %dma_wait3A_111 = arith.constant 0 : i32
      %dma_wait3A_112 = arith.constant 0 : i32
      %dma_wait3A_113 = tpu.memref_slice %arg8[%select_n3A_83, %dma_wait3A_111, %dma_wait3A_112] : memref<3x200x128xf32, #tpu.memory_space<vmem>> -> memref<1x200x128xf32, #tpu.memory_space<vmem>>
      %dma_wait3A_114 = tpu.memref_squeeze %dma_wait3A_113 : memref<1x200x128xf32, #tpu.memory_space<vmem>> -> memref<200x128xf32, #tpu.memory_space<vmem>>
      %dma_wait3A_115 = arith.constant 0 : i32
      %dma_wait3A_116 = arith.constant 0 : i32
      %dma_wait3A_117 = tpu.memref_slice %arg5[%dma_wait3A_115, %dma_wait3A_116] : memref<204800x128xf32, #tpu.memory_space<hbm>> -> memref<200x128xf32, #tpu.memory_space<hbm>>
      %dma_wait3A_118 = tpu.memref_slice %arg11[%select_n3A_83] : memref<3x!tpu.dma_semaphore, #tpu.memory_space<semaphore_mem>> -> memref<1x!tpu.dma_semaphore, #tpu.memory_space<semaphore_mem>>
      %dma_wait3A_119 = tpu.memref_squeeze %dma_wait3A_118 : memref<1x!tpu.dma_semaphore, #tpu.memory_space<semaphore_mem>> -> memref<!tpu.dma_semaphore, #tpu.memory_space<semaphore_mem>>
      %dma_wait3A_120 = arith.constant 0 : i32
      %dma_wait3A_121 = arith.constant 0 : i32
      %dma_wait3A_122 = tpu.memref_slice %arg8[%select_n3A_83, %dma_wait3A_120, %dma_wait3A_121] : memref<3x200x128xf32, #tpu.memory_space<vmem>> -> memref<1x200x128xf32, #tpu.memory_space<vmem>>
      %dma_wait3A_123 = tpu.memref_squeeze %dma_wait3A_122 : memref<1x200x128xf32, #tpu.memory_space<vmem>> -> memref<200x128xf32, #tpu.memory_space<vmem>>
      %dma_wait3A_124 = arith.constant 0 : i32
      %dma_wait3A_125 = arith.constant 0 : i32
      %dma_wait3A_126 = tpu.memref_slice %arg5[%dma_wait3A_124, %dma_wait3A_125] : memref<204800x128xf32, #tpu.memory_space<hbm>> -> memref<200x128xf32, #tpu.memory_space<hbm>>
      tpu.wait_dma2 semaphore(%dma_wait3A_119 : memref<!tpu.dma_semaphore, #tpu.memory_space<semaphore_mem>>) src(%dma_wait3A_126 : memref<200x128xf32, #tpu.memory_space<hbm>>) dst(%dma_wait3A_123 : memref<200x128xf32, #tpu.memory_space<vmem>>)
      %parallel_loop3A = arith.constant 0 : i32
      %parallel_loop3A_127 = arith.constant 200 : i32
      %parallel_loop3A_128 = arith.constant 1 : i32
      scf.for %parallel_loop3A_146 = %parallel_loop3A to %parallel_loop3A_127 step %parallel_loop3A_128  : i32 {
        %parallel_loop3A_147 = arith.index_cast %parallel_loop3A_146 : i32 to index
        %parallel_loop3A_148 = arith.constant 0 : index
        %parallel_loop3A_149 = tpu.vector_load %arg9[%parallel_loop3A_147, %parallel_loop3A_148] {strides = array<i32>} : memref<200x128xf32, #tpu.memory_space<vmem>>, vector<1x16xf32>,
        %parallel_loop3A_150 = vector.shape_cast %parallel_loop3A_149 : vector<1x16xf32> to vector<16xf32>
        %parallel_loop3A_151 = arith.index_cast %select_n3A_83 : i32 to index
        %parallel_loop3A_152 = arith.index_cast %parallel_loop3A_146 : i32 to index
        %parallel_loop3A_153 = arith.constant 0 : index
        %parallel_loop3A_154 = tpu.vector_load %arg8[%parallel_loop3A_151, %parallel_loop3A_152, %parallel_loop3A_153] {strides = array<i32>} : memref<3x200x128xf32, #tpu.memory_space<vmem>>, vector<1x1x16xf32>,
        %parallel_loop3A_155 = vector.shape_cast %parallel_loop3A_154 : vector<1x1x16xf32> to vector<16xf32>
        %parallel_loop3A_156 = vector.shape_cast %parallel_loop3A_150 : vector<16xf32> to vector<1x1x16xf32>
        tpu.vector_store %arg8[%parallel_loop3A_151, %parallel_loop3A_152, %parallel_loop3A_153], %parallel_loop3A_156 {add = true, strides = array<i32>} : memref<3x200x128xf32, #tpu.memory_space<vmem>>, vector<1x1x16xf32>,
        %parallel_loop3A_157 = arith.index_cast %parallel_loop3A_146 : i32 to index
        %parallel_loop3A_158 = arith.constant 16 : index
        %parallel_loop3A_159 = tpu.vector_load %arg9[%parallel_loop3A_157, %parallel_loop3A_158] {strides = array<i32>} : memref<200x128xf32, #tpu.memory_space<vmem>>, vector<1x16xf32>,
        %parallel_loop3A_160 = vector.shape_cast %parallel_loop3A_159 : vector<1x16xf32> to vector<16xf32>
        %parallel_loop3A_161 = arith.index_cast %select_n3A_83 : i32 to index
        %parallel_loop3A_162 = arith.index_cast %parallel_loop3A_146 : i32 to index
        %parallel_loop3A_163 = arith.constant 16 : index
        %parallel_loop3A_164 = tpu.vector_load %arg8[%parallel_loop3A_161, %parallel_loop3A_162, %parallel_loop3A_163] {strides = array<i32>} : memref<3x200x128xf32, #tpu.memory_space<vmem>>, vector<1x1x16xf32>,
        %parallel_loop3A_165 = vector.shape_cast %parallel_loop3A_164 : vector<1x1x16xf32> to vector<16xf32>
        %parallel_loop3A_166 = vector.shape_cast %parallel_loop3A_160 : vector<16xf32> to vector<1x1x16xf32>
        tpu.vector_store %arg8[%parallel_loop3A_161, %parallel_loop3A_162, %parallel_loop3A_163], %parallel_loop3A_166 {add = true, strides = array<i32>} : memref<3x200x128xf32, #tpu.memory_space<vmem>>, vector<1x1x16xf32>,
        %parallel_loop3A_167 = arith.index_cast %parallel_loop3A_146 : i32 to index
        %parallel_loop3A_168 = arith.constant 32 : index
        %parallel_loop3A_169 = tpu.vector_load %arg9[%parallel_loop3A_167, %parallel_loop3A_168] {strides = array<i32>} : memref<200x128xf32, #tpu.memory_space<vmem>>, vector<1x16xf32>,
        %parallel_loop3A_170 = vector.shape_cast %parallel_loop3A_169 : vector<1x16xf32> to vector<16xf32>
        %parallel_loop3A_171 = arith.index_cast %select_n3A_83 : i32 to index
        %parallel_loop3A_172 = arith.index_cast %parallel_loop3A_146 : i32 to index
        %parallel_loop3A_173 = arith.constant 32 : index
        %parallel_loop3A_174 = tpu.vector_load %arg8[%parallel_loop3A_171, %parallel_loop3A_172, %parallel_loop3A_173] {strides = array<i32>} : memref<3x200x128xf32, #tpu.memory_space<vmem>>, vector<1x1x16xf32>,
        %parallel_loop3A_175 = vector.shape_cast %parallel_loop3A_174 : vector<1x1x16xf32> to vector<16xf32>
        %parallel_loop3A_176 = vector.shape_cast %parallel_loop3A_170 : vector<16xf32> to vector<1x1x16xf32>
        tpu.vector_store %arg8[%parallel_loop3A_171, %parallel_loop3A_172, %parallel_loop3A_173], %parallel_loop3A_176 {add = true, strides = array<i32>} : memref<3x200x128xf32, #tpu.memory_space<vmem>>, vector<1x1x16xf32>,
        %parallel_loop3A_177 = arith.index_cast %parallel_loop3A_146 : i32 to index
        %parallel_loop3A_178 = arith.constant 48 : index
        %parallel_loop3A_179 = tpu.vector_load %arg9[%parallel_loop3A_177, %parallel_loop3A_178] {strides = array<i32>} : memref<200x128xf32, #tpu.memory_space<vmem>>, vector<1x16xf32>,
        %parallel_loop3A_180 = vector.shape_cast %parallel_loop3A_179 : vector<1x16xf32> to vector<16xf32>
        %parallel_loop3A_181 = arith.index_cast %select_n3A_83 : i32 to index
        %parallel_loop3A_182 = arith.index_cast %parallel_loop3A_146 : i32 to index
        %parallel_loop3A_183 = arith.constant 48 : index
        %parallel_loop3A_184 = tpu.vector_load %arg8[%parallel_loop3A_181, %parallel_loop3A_182, %parallel_loop3A_183] {strides = array<i32>} : memref<3x200x128xf32, #tpu.memory_space<vmem>>, vector<1x1x16xf32>,
        %parallel_loop3A_185 = vector.shape_cast %parallel_loop3A_184 : vector<1x1x16xf32> to vector<16xf32>
        %parallel_loop3A_186 = vector.shape_cast %parallel_loop3A_180 : vector<16xf32> to vector<1x1x16xf32>
        tpu.vector_store %arg8[%parallel_loop3A_181, %parallel_loop3A_182, %parallel_loop3A_183], %parallel_loop3A_186 {add = true, strides = array<i32>} : memref<3x200x128xf32, #tpu.memory_space<vmem>>, vector<1x1x16xf32>,
        %parallel_loop3A_187 = arith.index_cast %parallel_loop3A_146 : i32 to index
        %parallel_loop3A_188 = arith.constant 64 : index
        %parallel_loop3A_189 = tpu.vector_load %arg9[%parallel_loop3A_187, %parallel_loop3A_188] {strides = array<i32>} : memref<200x128xf32, #tpu.memory_space<vmem>>, vector<1x16xf32>,
        %parallel_loop3A_190 = vector.shape_cast %parallel_loop3A_189 : vector<1x16xf32> to vector<16xf32>
        %parallel_loop3A_191 = arith.index_cast %select_n3A_83 : i32 to index
        %parallel_loop3A_192 = arith.index_cast %parallel_loop3A_146 : i32 to index
        %parallel_loop3A_193 = arith.constant 64 : index
        %parallel_loop3A_194 = tpu.vector_load %arg8[%parallel_loop3A_191, %parallel_loop3A_192, %parallel_loop3A_193] {strides = array<i32>} : memref<3x200x128xf32, #tpu.memory_space<vmem>>, vector<1x1x16xf32>,
        %parallel_loop3A_195 = vector.shape_cast %parallel_loop3A_194 : vector<1x1x16xf32> to vector<16xf32>
        %parallel_loop3A_196 = vector.shape_cast %parallel_loop3A_190 : vector<16xf32> to vector<1x1x16xf32>
        tpu.vector_store %arg8[%parallel_loop3A_191, %parallel_loop3A_192, %parallel_loop3A_193], %parallel_loop3A_196 {add = true, strides = array<i32>} : memref<3x200x128xf32, #tpu.memory_space<vmem>>, vector<1x1x16xf32>,
        %parallel_loop3A_197 = arith.index_cast %parallel_loop3A_146 : i32 to index
        %parallel_loop3A_198 = arith.constant 80 : index
        %parallel_loop3A_199 = tpu.vector_load %arg9[%parallel_loop3A_197, %parallel_loop3A_198] {strides = array<i32>} : memref<200x128xf32, #tpu.memory_space<vmem>>, vector<1x16xf32>,
        %parallel_loop3A_200 = vector.shape_cast %parallel_loop3A_199 : vector<1x16xf32> to vector<16xf32>
        %parallel_loop3A_201 = arith.index_cast %select_n3A_83 : i32 to index
        %parallel_loop3A_202 = arith.index_cast %parallel_loop3A_146 : i32 to index
        %parallel_loop3A_203 = arith.constant 80 : index
        %parallel_loop3A_204 = tpu.vector_load %arg8[%parallel_loop3A_201, %parallel_loop3A_202, %parallel_loop3A_203] {strides = array<i32>} : memref<3x200x128xf32, #tpu.memory_space<vmem>>, vector<1x1x16xf32>,
        %parallel_loop3A_205 = vector.shape_cast %parallel_loop3A_204 : vector<1x1x16xf32> to vector<16xf32>
        %parallel_loop3A_206 = vector.shape_cast %parallel_loop3A_200 : vector<16xf32> to vector<1x1x16xf32>
        tpu.vector_store %arg8[%parallel_loop3A_201, %parallel_loop3A_202, %parallel_loop3A_203], %parallel_loop3A_206 {add = true, strides = array<i32>} : memref<3x200x128xf32, #tpu.memory_space<vmem>>, vector<1x1x16xf32>,
        %parallel_loop3A_207 = arith.index_cast %parallel_loop3A_146 : i32 to index
        %parallel_loop3A_208 = arith.constant 96 : index
        %parallel_loop3A_209 = tpu.vector_load %arg9[%parallel_loop3A_207, %parallel_loop3A_208] {strides = array<i32>} : memref<200x128xf32, #tpu.memory_space<vmem>>, vector<1x16xf32>,
        %parallel_loop3A_210 = vector.shape_cast %parallel_loop3A_209 : vector<1x16xf32> to vector<16xf32>
        %parallel_loop3A_211 = arith.index_cast %select_n3A_83 : i32 to index
        %parallel_loop3A_212 = arith.index_cast %parallel_loop3A_146 : i32 to index
        %parallel_loop3A_213 = arith.constant 96 : index
        %parallel_loop3A_214 = tpu.vector_load %arg8[%parallel_loop3A_211, %parallel_loop3A_212, %parallel_loop3A_213] {strides = array<i32>} : memref<3x200x128xf32, #tpu.memory_space<vmem>>, vector<1x1x16xf32>,
        %parallel_loop3A_215 = vector.shape_cast %parallel_loop3A_214 : vector<1x1x16xf32> to vector<16xf32>
        %parallel_loop3A_216 = vector.shape_cast %parallel_loop3A_210 : vector<16xf32> to vector<1x1x16xf32>
        tpu.vector_store %arg8[%parallel_loop3A_211, %parallel_loop3A_212, %parallel_loop3A_213], %parallel_loop3A_216 {add = true, strides = array<i32>} : memref<3x200x128xf32, #tpu.memory_space<vmem>>, vector<1x1x16xf32>,
        %parallel_loop3A_217 = arith.index_cast %parallel_loop3A_146 : i32 to index
        %parallel_loop3A_218 = arith.constant 112 : index
        %parallel_loop3A_219 = tpu.vector_load %arg9[%parallel_loop3A_217, %parallel_loop3A_218] {strides = array<i32>} : memref<200x128xf32, #tpu.memory_space<vmem>>, vector<1x16xf32>,
        %parallel_loop3A_220 = vector.shape_cast %parallel_loop3A_219 : vector<1x16xf32> to vector<16xf32>
        %parallel_loop3A_221 = arith.index_cast %select_n3A_83 : i32 to index
        %parallel_loop3A_222 = arith.index_cast %parallel_loop3A_146 : i32 to index
        %parallel_loop3A_223 = arith.constant 112 : index
        %parallel_loop3A_224 = tpu.vector_load %arg8[%parallel_loop3A_221, %parallel_loop3A_222, %parallel_loop3A_223] {strides = array<i32>} : memref<3x200x128xf32, #tpu.memory_space<vmem>>, vector<1x1x16xf32>,
        %parallel_loop3A_225 = vector.shape_cast %parallel_loop3A_224 : vector<1x1x16xf32> to vector<16xf32>
        %parallel_loop3A_226 = vector.shape_cast %parallel_loop3A_220 : vector<16xf32> to vector<1x1x16xf32>
        tpu.vector_store %arg8[%parallel_loop3A_221, %parallel_loop3A_222, %parallel_loop3A_223], %parallel_loop3A_226 {add = true, strides = array<i32>} : memref<3x200x128xf32, #tpu.memory_space<vmem>>, vector<1x1x16xf32>,
      } {sc.loop_unroll_factor = 4 : i64, sc.parallel_access}
      %mul3A_129 = arith.constant 200 : i32
      %mul3A_130 = arith.muli %scan3A_74, %mul3A_129 : i32
      %add3A_131 = arith.addi %mul3A_2, %mul3A_130 : i32
      %dma_start3A_132 = arith.constant 0 : i32
      %dma_start3A_133 = arith.constant 0 : i32
      %dma_start3A_134 = tpu.memref_slice %arg8[%select_n3A_83, %dma_start3A_132, %dma_start3A_133] : memref<3x200x128xf32, #tpu.memory_space<vmem>> -> memref<1x200x128xf32, #tpu.memory_space<vmem>>
      %dma_start3A_135 = tpu.memref_squeeze %dma_start3A_134 : memref<1x200x128xf32, #tpu.memory_space<vmem>> -> memref<200x128xf32, #tpu.memory_space<vmem>>
      %dma_start3A_136 = arith.constant 0 : i32
      %dma_start3A_137 = tpu.memref_slice %arg5[%add3A_131, %dma_start3A_136] : memref<204800x128xf32, #tpu.memory_space<hbm>> -> memref<200x128xf32, #tpu.memory_space<hbm>>
      %dma_start3A_138 = tpu.memref_slice %arg12[%select_n3A_83] : memref<3x!tpu.dma_semaphore, #tpu.memory_space<semaphore_mem>> -> memref<1x!tpu.dma_semaphore, #tpu.memory_space<semaphore_mem>>
      %dma_start3A_139 = tpu.memref_squeeze %dma_start3A_138 : memref<1x!tpu.dma_semaphore, #tpu.memory_space<semaphore_mem>> -> memref<!tpu.dma_semaphore, #tpu.memory_space<semaphore_mem>>
      %dma_start3A_140 = arith.constant 0 : i32
      %dma_start3A_141 = tpu.memref_slice %arg5[%add3A_131, %dma_start3A_140] : memref<204800x128xf32, #tpu.memory_space<hbm>> -> memref<200x128xf32, #tpu.memory_space<hbm>>
      %dma_start3A_142 = arith.constant 0 : i32
      %dma_start3A_143 = arith.constant 0 : i32
      %dma_start3A_144 = tpu.memref_slice %arg8[%select_n3A_83, %dma_start3A_142, %dma_start3A_143] : memref<3x200x128xf32, #tpu.memory_space<vmem>> -> memref<1x200x128xf32, #tpu.memory_space<vmem>>
      %dma_start3A_145 = tpu.memref_squeeze %dma_start3A_144 : memref<1x200x128xf32, #tpu.memory_space<vmem>> -> memref<200x128xf32, #tpu.memory_space<vmem>>
      tpu.enqueue_dma source(%dma_start3A_145 : memref<200x128xf32, #tpu.memory_space<vmem>>) target(%dma_start3A_141 : memref<200x128xf32, #tpu.memory_space<hbm>>) target_semaphore(%dma_start3A_139 : memref<!tpu.dma_semaphore, #tpu.memory_space<semaphore_mem>>)
    }
    %scan3A_32 = arith.constant 32 : i32
    %scan3A_33 = arith.constant 0 : i32
    %scan3A_34 = arith.constant 0 : i32
    %scan3A_35 = arith.constant 400 : i32
    %scan3A_36 = arith.addi %scan3A_34, %scan3A_35 : i32
    %scan3A_37 = arith.constant 1 : i32
    scf.for %scan3A_74 = %scan3A_34 to %scan3A_36 step %scan3A_37  : i32 {
      %mul3A_75 = arith.constant 16 : i32
      %mul3A_76 = arith.muli %scan3A_74, %mul3A_75 : i32
      %get3A = arith.index_cast %mul3A_76 : i32 to index
      %get3A_77 = tpu.vector_load %arg7[%get3A] {strides = array<i32>} : memref<6400xi32, #tpu.memory_space<vmem>>, vector<16xi32>,
      %get3A_78 = vector.shape_cast %get3A_77 : vector<16xi32> to vector<16xi32>
      %eq3A = arith.constant 0 : i32
      %eq3A_79 = vector.broadcast %eq3A : i32 to vector<16xi32>
      %eq3A_80 = arith.cmpi eq, %get3A_78, %eq3A_79 : vector<16xi32>
      %broadcast_in_dim3A = arith.constant 1 : i32
      %broadcast_in_dim3A_81 = vector.broadcast %broadcast_in_dim3A : i32 to vector<16xi32>
      %broadcast_in_dim3A_82 = arith.constant 0 : i32
      %broadcast_in_dim3A_83 = vector.broadcast %broadcast_in_dim3A_82 : i32 to vector<16xi32>
      %select_n3A = arith.select %eq3A_80, %broadcast_in_dim3A_81, %broadcast_in_dim3A_83 : vector<16xi1>, vector<16xi32>
      %mul3A_84 = arith.constant 16 : i32
      %mul3A_85 = arith.muli %scan3A_74, %mul3A_84 : i32
      %swap3A = arith.index_cast %mul3A_85 : i32 to index
      %swap3A_86 = tpu.vector_load %arg10[%swap3A] {strides = array<i32>} : memref<6400xi32, #tpu.memory_space<vmem>>, vector<16xi32>,
      %swap3A_87 = vector.shape_cast %swap3A_86 : vector<16xi32> to vector<16xi32>
      %swap3A_88 = vector.shape_cast %select_n3A : vector<16xi32> to vector<16xi32>
      tpu.vector_store %arg10[%swap3A], %swap3A_88 {strides = array<i32>} : memref<6400xi32, #tpu.memory_space<vmem>>, vector<16xi32>,
    }
    %scan3A_38 = arith.constant 400 : i32
    "tpu.region"() ({
      %run_scoped3A = tpu.sem_alloc : memref<!tpu.dma_semaphore, #tpu.memory_space<semaphore_mem>>
      %dma_start3A_74 = tpu.memref_slice %arg6[%mul3A_2] : memref<204800xi32, #tpu.memory_space<hbm>> -> memref<6400xi32, #tpu.memory_space<hbm>>
      %dma_start3A_75 = tpu.memref_slice %arg6[%mul3A_2] : memref<204800xi32, #tpu.memory_space<hbm>> -> memref<6400xi32, #tpu.memory_space<hbm>>
      tpu.enqueue_dma source(%arg10 : memref<6400xi32, #tpu.memory_space<vmem>>) target(%dma_start3A_75 : memref<6400xi32, #tpu.memory_space<hbm>>) target_semaphore(%run_scoped3A : memref<!tpu.dma_semaphore, #tpu.memory_space<semaphore_mem>>)
      %dma_wait3A_76 = tpu.memref_slice %arg6[%mul3A_2] : memref<204800xi32, #tpu.memory_space<hbm>> -> memref<6400xi32, #tpu.memory_space<hbm>>
      %dma_wait3A_77 = tpu.memref_slice %arg6[%mul3A_2] : memref<204800xi32, #tpu.memory_space<hbm>> -> memref<6400xi32, #tpu.memory_space<hbm>>
      tpu.wait_dma2 semaphore(%run_scoped3A : memref<!tpu.dma_semaphore, #tpu.memory_space<semaphore_mem>>) src(%arg10 : memref<6400xi32, #tpu.memory_space<vmem>>) dst(%dma_wait3A_77 : memref<6400xi32, #tpu.memory_space<hbm>>)
      tpu.yield
    }) : () -> ()
    %dma_wait3A = arith.constant 0 : i32
    %dma_wait3A_39 = arith.constant 0 : i32
    %dma_wait3A_40 = arith.constant 0 : i32
    %dma_wait3A_41 = arith.constant 0 : i32
    %dma_wait3A_42 = tpu.memref_slice %arg8[%dma_wait3A, %dma_wait3A_40, %dma_wait3A_41] : memref<3x200x128xf32, #tpu.memory_space<vmem>> -> memref<1x200x128xf32, #tpu.memory_space<vmem>>
    %dma_wait3A_43 = tpu.memref_squeeze %dma_wait3A_42 : memref<1x200x128xf32, #tpu.memory_space<vmem>> -> memref<200x128xf32, #tpu.memory_space<vmem>>
    %dma_wait3A_44 = arith.constant 0 : i32
    %dma_wait3A_45 = arith.constant 0 : i32
    %dma_wait3A_46 = tpu.memref_slice %arg5[%dma_wait3A_44, %dma_wait3A_45] : memref<204800x128xf32, #tpu.memory_space<hbm>> -> memref<200x128xf32, #tpu.memory_space<hbm>>
    %dma_wait3A_47 = tpu.memref_slice %arg12[%dma_wait3A_39] : memref<3x!tpu.dma_semaphore, #tpu.memory_space<semaphore_mem>> -> memref<1x!tpu.dma_semaphore, #tpu.memory_space<semaphore_mem>>
    %dma_wait3A_48 = tpu.memref_squeeze %dma_wait3A_47 : memref<1x!tpu.dma_semaphore, #tpu.memory_space<semaphore_mem>> -> memref<!tpu.dma_semaphore, #tpu.memory_space<semaphore_mem>>
    %dma_wait3A_49 = arith.constant 0 : i32
    %dma_wait3A_50 = arith.constant 0 : i32
    %dma_wait3A_51 = tpu.memref_slice %arg5[%dma_wait3A_49, %dma_wait3A_50] : memref<204800x128xf32, #tpu.memory_space<hbm>> -> memref<200x128xf32, #tpu.memory_space<hbm>>
    %dma_wait3A_52 = arith.constant 0 : i32
    %dma_wait3A_53 = arith.constant 0 : i32
    %dma_wait3A_54 = tpu.memref_slice %arg8[%dma_wait3A, %dma_wait3A_52, %dma_wait3A_53] : memref<3x200x128xf32, #tpu.memory_space<vmem>> -> memref<1x200x128xf32, #tpu.memory_space<vmem>>
    %dma_wait3A_55 = tpu.memref_squeeze %dma_wait3A_54 : memref<1x200x128xf32, #tpu.memory_space<vmem>> -> memref<200x128xf32, #tpu.memory_space<vmem>>
    tpu.wait_dma2 semaphore(%dma_wait3A_48 : memref<!tpu.dma_semaphore, #tpu.memory_space<semaphore_mem>>) src(%dma_wait3A_55 : memref<200x128xf32, #tpu.memory_space<vmem>>) dst(%dma_wait3A_51 : memref<200x128xf32, #tpu.memory_space<hbm>>)
    %dma_wait3A_56 = arith.constant 1 : i32
    %dma_wait3A_57 = arith.constant 1 : i32
    %dma_wait3A_58 = arith.constant 0 : i32
    %dma_wait3A_59 = arith.constant 0 : i32
    %dma_wait3A_60 = tpu.memref_slice %arg8[%dma_wait3A_56, %dma_wait3A_58, %dma_wait3A_59] : memref<3x200x128xf32, #tpu.memory_space<vmem>> -> memref<1x200x128xf32, #tpu.memory_space<vmem>>
    %dma_wait3A_61 = tpu.memref_squeeze %dma_wait3A_60 : memref<1x200x128xf32, #tpu.memory_space<vmem>> -> memref<200x128xf32, #tpu.memory_space<vmem>>
    %dma_wait3A_62 = arith.constant 0 : i32
    %dma_wait3A_63 = arith.constant 0 : i32
    %dma_wait3A_64 = tpu.memref_slice %arg5[%dma_wait3A_62, %dma_wait3A_63] : memref<204800x128xf32, #tpu.memory_space<hbm>> -> memref<200x128xf32, #tpu.memory_space<hbm>>
    %dma_wait3A_65 = tpu.memref_slice %arg12[%dma_wait3A_57] : memref<3x!tpu.dma_semaphore, #tpu.memory_space<semaphore_mem>> -> memref<1x!tpu.dma_semaphore, #tpu.memory_space<semaphore_mem>>
    %dma_wait3A_66 = tpu.memref_squeeze %dma_wait3A_65 : memref<1x!tpu.dma_semaphore, #tpu.memory_space<semaphore_mem>> -> memref<!tpu.dma_semaphore, #tpu.memory_space<semaphore_mem>>
    %dma_wait3A_67 = arith.constant 0 : i32
    %dma_wait3A_68 = arith.constant 0 : i32
    %dma_wait3A_69 = tpu.memref_slice %arg5[%dma_wait3A_67, %dma_wait3A_68] : memref<204800x128xf32, #tpu.memory_space<hbm>> -> memref<200x128xf32, #tpu.memory_space<hbm>>
    %dma_wait3A_70 = arith.constant 0 : i32
    %dma_wait3A_71 = arith.constant 0 : i32
    %dma_wait3A_72 = tpu.memref_slice %arg8[%dma_wait3A_56, %dma_wait3A_70, %dma_wait3A_71] : memref<3x200x128xf32, #tpu.memory_space<vmem>> -> memref<1x200x128xf32, #tpu.memory_space<vmem>>
    %dma_wait3A_73 = tpu.memref_squeeze %dma_wait3A_72 : memref<1x200x128xf32, #tpu.memory_space<vmem>> -> memref<200x128xf32, #tpu.memory_space<vmem>>
    tpu.wait_dma2 semaphore(%dma_wait3A_66 : memref<!tpu.dma_semaphore, #tpu.memory_space<semaphore_mem>>) src(%dma_wait3A_73 : memref<200x128xf32, #tpu.memory_space<vmem>>) dst(%dma_wait3A_69 : memref<200x128xf32, #tpu.memory_space<hbm>>)
    return
  }
}

</mosaic_0001>

<sc_bundles>
// kernel: kernel.3.cloned.1.call-start
scs
__scs_entry_jumppad:
0x0: {  	(pc) =	sbr.rel $0x88, $3  }
0x1: {  	(tag) =	ssettag $0x0;
	lr =	simm.s32 $0x1  }
0x2: {  	[smem:$0x3F9F] =	sst lr;
	_ =	strace $0xD0000000  }
0x3: {  	_ = 	snop  }
0x4: {  	_ = 	snop  }
0x5: {  	_ = 	snop  }
0x6: {  	_ = 	snop  }
0x7: {  	_ = 	snop  }
__scs_overlays_trampoline_lowered:
0x8: {  	[smem:$0x3FAE] =	sst s0  }
0x9: {  	[smem:$0x3FAF] =	sst s1  }
0xa: {  	[smem:$0x3FB0] =	sst s2  }
0xb: {  	[smem:$0x3FB1] =	sst s3  }
0xc: {  	[smem:$0x3FB2] =	sst s4  }
0xd: {  	[smem:$0x3FB3] =	sst s5  }
0xe: {  	[smem:$0x3FB4] =	sst s6  }
0xf: {  	[smem:$0x3FB5] =	sst s7  }
0x10: {  	[smem:$0x3FB6] =	sst s8  }
0x11: {  	[smem:$0x3FB7] =	sst s9;
	s0 =	simm.s32 @!p0 $0x0  }
0x12: {  	s1 =	sld [smem:$0x3F9D];
	s0 =	simm.s32 @p0 $0x1  }
0x13: {  	[smem:$0x3FB8] =	sst s0;
	s0 =	simm.s32 @!p1 $0x0  }
0x14: {  	s2 =	sld [smem:$0x3F9C];
	s0 =	simm.s32 @p1 $0x1  }
0x15: {  	[smem:$0x3FB9] =	sst s0;
	s0 =	simm.s32 @!p2 $0x0  }
0x16: {  	s3 =	sld [smem:$0x3FDB];
	s0 =	simm.s32 @p2 $0x1  }
0x17: {  	s4 =	simm.s32 $0x1BF5;
	[smem:$0x3FBB] =	sst s0  }
0x18: {  	s0 =	sld [smem:$0x3F9E];
	_ =	swait.ge [sflag:s4], $0x0  }
0x19: {  	s7 =	sld [smem:$0x3F9F]  }
0x1a: {  	s8 =	sadd.s32 $0xFFFFE003, lr  }
0x1b: {  	s9 =	sadd.s32 $0xFFFFFEF7, lr;
	s5 =	simm.s32 $0xFFFFFFFF;
	p2 =	slt.u32 s8, $0xFFFFF086  }
0x1c: {  	p1 =	slt.u32 s9, $0xF7A;
	s5 =	simm.s32 @!p2 $0x0  }
0x1d: {  	s5 =	simm.s32 @p1 $0x1;
	p0 =	seq.s32 s7, s2  }
0x1e: {  	s7 =	smul.u32 @!p0 $0xF7A, s2;
	p2 =	seq.s32 @!p0 s5, $0x0  }
0x1f: {  	s9 =	smul.u32 $0xF7A, s1;
	s8 =	simm.s32 @!p0 $0x1BF5;
	p2 =	por !p2, p0  }
0x20: {  	[sflag:s8] =	ssyncset.s32 @!p0 $0xFFFFF086;
	s6 =	sadd.s32 @!p0 s3, s7;
	s7 =	simm.s32 @!p0 $0x108  }
0x21: {  	s3 =	sadd.s32 s3, s9;
	s6 =	sadd.s32 @!p0 $0x88, s6;
	s7 =	simm.s32 @p2 $0x1082  }
0x22: {  	[simem:s7], [sflag:s8] =	dma.local @!p0 [hbm:s6], $0xF7A  }
0x23: {  	s9 =	sor.u32 $0xD0000000, s2;
	s6 =	simm.s32 $0x108;
	_ =	swait.ge @!p0 [sflag:s8], $0x0  }
0x24: {  	s3 =	sadd.s32 $0x88, s3;
	s6 =	simm.s32 @!p1 $0x1082;
	[sflag:s4] =	ssyncset.s32 $0xFFFFF086  }
0x25: {  	[simem:s6], [sflag:s4] =	dma.local [hbm:s3], $0xF7A  }
0x26: {  	[smem:$0x3F9F] =	sst s1;
	(tag) =	ssettag s2;
	_ =	strace s9  }
0x27: {  	s1 =	sld [smem:$0x3FAF]  }
0x28: {  	s2 =	sld [smem:$0x3FB0]  }
0x29: {  	s4 =	sld [smem:$0x3FB2]  }
0x2a: {  	p0 =	seq.s32 s5, $0x0;
	s5 =	sld [smem:$0x3FB3]  }
0x2b: {  	s6 =	sld [smem:$0x3FB4]  }
0x2c: {  	s7 =	sld [smem:$0x3FB5]  }
0x2d: {  	s3 =	simm.s32 $0x108;
	s8 =	sld [smem:$0x3FB6]  }
0x2e: {  	s3 =	simm.s32 @!p0 $0x1082;
	s9 =	sld [smem:$0x3FB7]  }
0x2f: {  	lr =	sadd.s32 s0, s3;
	s0 =	sld [smem:$0x3FAE]  }
0x30: {  	s3 =	sld [smem:$0x3FB1]  }
0x31: {  	[smem:$0x3FBA] =	sst s10  }
0x32: {  	s10 =	sld [smem:$0x3FB8];
	_ =	sdelay $0x3  }
0x33: {  	p0 =	seq.s32 s10, $0x1;
	s10 =	sld [smem:$0x3FBA];
	_ =	sdelay $0x3  }
0x34: {  	[smem:$0x3FBA] =	sst s10  }
0x35: {  	s10 =	sld [smem:$0x3FB9];
	_ =	sdelay $0x3  }
0x36: {  	p1 =	seq.s32 s10, $0x1;
	s10 =	sld [smem:$0x3FBA];
	_ =	sdelay $0x3  }
0x37: {  	[smem:$0x3FBA] =	sst s10  }
0x38: {  	s10 =	sld [smem:$0x3FBB]  }
0x39: {  	_ = 	snop;
	(pc) =	sbr.ind lr, $3  }
0x3a: {  	_ = 	snop  }
0x3b: {  	_ = 	snop  }
0x3c: {  	p2 =	seq.s32 s10, $0x1;
	s10 =	sld [smem:$0x3FBA]  }
0x3d: {  	_ =	shalt  }
0x3e: {  	_ =	shalt  }
0x3f: {  	_ =	shalt  }
0x40: {  	_ =	shalt  }
0x41: {  	_ =	shalt  }
0x42: {  	_ =	shalt  }
0x43: {  	_ =	shalt  }
0x44: {  	_ =	shalt  }
0x45: {  	_ =	shalt  }
0x46: {  	_ =	shalt  }
0x47: {  	_ =	shalt  }
0x48: {  	_ =	shalt  }
0x49: {  	_ =	shalt  }
0x4a: {  	_ =	shalt  }
0x4b: {  	_ =	shalt  }
0x4c: {  	_ =	shalt  }
0x4d: {  	_ =	shalt  }
0x4e: {  	_ =	shalt  }
0x4f: {  	_ =	shalt  }
0x50: {  	_ =	shalt  }
0x51: {  	_ =	shalt  }
0x52: {  	_ =	shalt  }
0x53: {  	_ =	shalt  }
0x54: {  	_ =	shalt  }
0x55: {  	_ =	shalt  }
0x56: {  	_ =	shalt  }
0x57: {  	_ =	shalt  }
0x58: {  	_ =	shalt  }
0x59: {  	_ =	shalt  }
0x5a: {  	_ =	shalt  }
0x5b: {  	_ =	shalt  }
0x5c: {  	_ =	shalt  }
0x5d: {  	_ =	shalt  }
0x5e: {  	_ =	shalt  }
0x5f: {  	_ =	shalt  }
0x60: {  	_ =	shalt  }
0x61: {  	_ =	shalt  }
0x62: {  	_ =	shalt  }
0x63: {  	_ =	shalt  }
0x64: {  	_ =	shalt  }
0x65: {  	_ =	shalt  }
0x66: {  	_ =	shalt  }
0x67: {  	_ =	shalt  }
0x68: {  	_ =	shalt  }
0x69: {  	_ =	shalt  }
0x6a: {  	_ =	shalt  }
0x6b: {  	_ =	shalt  }
0x6c: {  	_ =	shalt  }
0x6d: {  	_ =	shalt  }
0x6e: {  	_ =	shalt  }
0x6f: {  	_ =	shalt  }
0x70: {  	_ =	shalt  }
0x71: {  	_ =	shalt  }
0x72: {  	_ =	shalt  }
0x73: {  	_ =	shalt  }
0x74: {  	_ =	shalt  }
0x75: {  	_ =	shalt  }
0x76: {  	_ =	shalt  }
0x77: {  	_ =	shalt  }
0x78: {  	_ =	shalt  }
0x79: {  	_ =	shalt  }
0x7a: {  	_ =	shalt  }
0x7b: {  	_ =	shalt  }
0x7c: {  	_ =	shalt  }
0x7d: {  	_ =	shalt  }
0x7e: {  	_ =	shalt  }
0x7f: {  	_ =	shalt  }
0x80: {  	_ =	shalt  }
0x81: {  	_ =	shalt  }
0x82: {  	_ =	shalt  }
0x83: {  	_ =	shalt  }
0x84: {  	_ =	shalt  }
0x85: {  	_ =	shalt  }
0x86: {  	_ =	shalt  }
0x87: {  	_ =	shalt  }
.Lfunc_end0:
.L_simem_size_0:
called_computation_lowered:
.L_overlay_start_0:
0x88: {  	s2 =	sld [smem:$0x3FD9]  }
0x89: {  	s3 =	sld [smem:$0x3FFE];
	_ =	sdelay $0x1  }
0x8a: {  	s1 =	srdreg.scid  }
0x8b: {  	s0 =	sand.u32 $0x1, s1  }
0x8c: {  	s14 =	sshll.u32 s0, $0xA;
	s2 =	sadd.s32 s3, s2  }
0x8d: {  	s2 =	sadd.s32 s2, s14  }
0x8e: {  	[smem:$0x3FC6] =	sst s2  }
0x8f: {  	_ = 	snop  }
0x90: {  	s2 =	sld [smem:$0x3FD0];
	_ =	sdelay $0x2  }
0x91: {  	s4 =	simm.s32 $0xA;
	s5 =	simm.s32 $0x10;
	s15 =	sld [smem:$0x3FC8]  }
0x92: {  	[smem:s5], [sflag:s4] =	dma.local [hbm:s2], $0x1  }
0x93: {  	_ =	swait.eq [sflag:s4], $0x1  }
0x94: {  	[sflag:s4] =	ssyncset.done $0x0  }
0x95: {  	s16 =	sld [smem:$0x10];
	[sflag:s4] =	ssyncadd.s32 $0xFFFFFFFF  }
0x96: {  	s17 =	sld [smem:$0x11];
	(tm) =	ssettm $0x1  }
0x97: {  	s18 =	sld [smem:$0x3FFB];
	_ =	sdelay $0x3  }
0x98: {  	_ =	strace s18  }
0x99: {  	s5 =	sld [smem:$0x3FFC];
	_ =	sdelay $0x3  }
0x9a: {  	_ =	strace s5  }
0x9b: {  	s5 =	sld [smem:$0x3FFD];
	_ =	sdelay $0x3  }
0x9c: {  	_ =	strace s5  }
0x9d: {  	_ =	strace $0x8FFFFFFF  }
0x9e: {  	s19 =	sld [smem:$0x3FDB];
	_ =	sdelay $0x1  }
0x9f: {  	s6 =	simm.s32 $_scs_section_size  }
0xa0: {  	s7 =	simm.s32 $_size__tile_overlayer_lowered;
	s8 =	simm.s32 $_tile_overlayer_lowered  }
0xa1: {  	s22 =	simm.s32 $0x1BFF;
	s21 =	sshll.u32 s8, $0x1;
	s5 =	sadd.s32 s6, s19  }
0xa2: {  	s9 =	simm.s32 $0x0;
	s20 =	sshll.u32 s7, $0x1;
	s7 =	sadd.s32 s21, s5  }
0xa3: {  	[timem:s9], [sflag:s22] =	dma.local [hbm:s7], s20  }
0xa4: {  	_ =	swait.ge [sflag:s22], s20  }
0xa5: {  	s6 =	ssub.s32 $0x0, s20;
	[sflag:s22] =	ssyncset.done $0x0  }
0xa6: {  	[sflag:s22] =	ssyncadd.s32 s6;
	_ =	sdelay $0x1  }
0xa7: {  	s23 =	simm.s32 $0x1B8B  }
0xa8: {  	_ =	swait.ge [sflag:s23], $0x1  }
0xa9: {  	[sflag:s23] =	ssyncset.done $0x0  }
0xaa: {  	s25 =	simm.s32 $0x1B8E;
	s24 =	sld [smem:$0x3FFE];
	[sflag:s23] =	ssyncadd.s32 $0xFFFFFFFF  }
0xab: {  	s26 =	simm.s32 $execute0_lowered;
	[smem:$0x3FD2] =	sst s25  }
0xac: {  	s7 =	sshll.u32 s26, $0x1;
	_ =	strace $0x80000046;
	[dreg:$0x1] =	wrdreg $0xFFFFFFFF  }
0xad: {  	s28 =	simm.s32 $_size_execute0_lowered;
	s5 =	sadd.s32 s5, s7;
	[dreg:$0x0] =	wrdreg $0x0  }
0xae: {  	s7 =	sshll.u32 s28, $0x1;
	[dreg:$0x2] =	wrdreg s5  }
0xaf: {  	[dreg:$0x3] =	wrdreg s7  }
0xb0: {  	[dreg:$0x4] =	wrdreg $0xC0  }
0xb1: {  	_ =	task [dreg:s9], $0x5FFFF  }
0xb2: {  	[dreg:$0x1] =	wrdreg $0xFFFFFFFF  }
0xb3: {  	[dreg:$0x0] =	wrdreg $0x60  }
0xb4: {  	[dreg:$0x2] =	wrdreg s24  }
0xb5: {  	[dreg:$0x3] =	wrdreg s15  }
0xb6: {  	[dreg:$0x4] =	wrdreg s17  }
0xb7: {  	[dreg:$0x5] =	wrdreg s16  }
0xb8: {  	[dreg:$0x6] =	wrdreg $0x9  }
0xb9: {  	_ =	task.clear_ibuf [dreg:s9], $0x7FFFF;
	_ =	strace $0x90000046  }
0xba: {  	s29 =	simm.s32 $0x9;
	_ =	strace $0x80000048  }
0xbb: {  	_ =	swait.ge [sflag:s29], $0x1  }
0xbc: {  	[sflag:s29] =	ssyncadd.s32 $0xFFFFFFFF  }
0xbd: {  	_ =	strace $0x90000048  }
0xbe: {  	_ =	sfence  }
0xbf: {  	s30 =	sld [smem:$0x0];
	_ =	sdelay $0x2  }
0xc0: {  	s31 =	sshll.u32 s1, $0xD;
	s1 =	sshrl.u32 s1, $0x2  }
0xc1: {  	s3 =	sand.u32 $0x4000, s31;
	s1 =	sadd.s32 s1, s30  }
0xc2: {  	s0 =	sor.u32 s3, s0;
	s1 =	sshll.u32 s1, $0x11  }
0xc3: {  	s0 =	sor.u32 s1, s0  }
0xc4: {  	s0 =	sadd.s32 $0x8F2B, s0  }
0xc5: {  	[sflag:s0] =	ssyncadd.remote.s32 $0x1  }
0xc6: {  	_ =	sfence.sel $0xFFFF  }
0xc7: {  	[dreg:$0x0] =	wrdreg $0xFFFFFFFF;
	(pc) =	sbr.abs _section_cstart, $3  }
0xc8: {  	[dreg:$0x1] =	wrdreg $0xFFFFFFFF  }
0xc9: {  	_ =	task.clear_ibuf [dreg:s9], $0x2FFFF;
	_ =	strace $0x9FFFFFFF  }
0xca: {  	(tm) =	ssettm $0x7FFFFFFF  }
0xcb: {  	_ =	shalt  }
tec
execute0_lowered:
.L_overlay_start_1:
0x0: {  	(tag) =	ssettag $0x1  }
0x1: {  	s7 =	rddreg [dreg:$0x0]  }
0x2: {  	s1 =	rddreg [dreg:$0x1]  }
0x3: {  	s2 =	srdreg.scid;
	s3 =	rddreg [dreg:$0x2]  }
0x4: {  	s0 =	stileid.u32;
	s4 =	rddreg [dreg:$0x3];
	s6 =	simm.s32 $0x0  }
0x5: {  	s11 =	simm.s32 $0x14500;
	s8 =	sand.u32 $0x1, s2;
	s31 =	sshll.u32 s0, $0x1  }
0x6: {  	s12 =	simm.s32 $0x80;
	s13 =	simm.s32 $0x48;
	s2 =	sor.u32 s8, s31  }
0x7: {  	s14 =	simm.s32 $0x5900;
	s15 =	simm.s32 $0x1A900;
	s5 =	smul.u32 $0x1900, s2  }
0x8: {  	s16 =	simm.s32 $0x4;
	s17 =	simm.s32 $0x5;
	s18 =	simm.s32 $0x0  }
0x9: {  	[smem:$0x7FF] =	sst s6;
	s8 =	ssub.s32 $0x2, s8;
	s9 =	sshrl.u32 s5, $0x3  }
0xa: {  	s2 =	rddreg [dreg:$0x4];
	s10 =	sshrl.u32 s8, $0x1;
	s9 =	sadd.s32 s9, s7  }
0xb: {  	_ =	strace $0x80000047;
	s10 =	ssub.s32 s8, s10;
	s7 =	sadd.s32 $0x800, s9  }
0xc: {  	v0 =	vimm.s32 $0x0;
	s8 =	sadd.s32 $0x6C00, s9;
	s9 =	smax.u32 s10, $0x1;
	s10 =	simm.s32 $0x7  }
.LBB2_1:
0xd: {  	[tilespmem:s6], [sflag:$0x7] =	stream.linear.gather [hbm4b:s7+s6], $0x1900, $0x38;
	[tilespmem:$0x1C200] =	vst v63  }
0xe: {  	_ =	swait.ge [sflag:s10], $0x1900  }
0xf: {  	[sflag:s10] =	ssyncset.done $0x0  }
0x10: {  	[sflag:s10] =	ssyncadd.s32 $0xFFFFE700  }
0x11: {  	[tilespmem:s11], [sflag:$0x7] =	stream.linear.gather [hbm4b:s3+s6], $0x6400, $0x38;
	[tilespmem:$0x1C200] =	vst v63  }
0x12: {  	_ =	swait.ge [sflag:s10], $0x6400  }
0x13: {  	[sflag:s10] =	ssyncset.done $0x0  }
0x14: {  	s19 =	simm.s32 $0x1900;
	[sflag:s10] =	ssyncadd.s32 $0xFFFF9C00  }
0x15: {  	[tilespmem:s19], [sflag:$0x1] =	stream.indirect.gather [hbm4b:s1+s12], $0x80, s6, s12, $0xb8;
	[tilespmem:$0x1C200] =	vst v63  }
0x16: {  	s21 =	simm.s32 $0x0  }
0x17: {  	[tilespmem:s14], [sflag:$0x1] =	stream.indirect.gather [hbm4b:s1+s13], $0x80, s12, s13, $0xb8;
	[tilespmem:$0x1C200] =	vst v63  }
.LBB2_2:
0x18: {  	s22 =	smul.u32 $0xAB, s21;
	_ =	sdelay $0x1  }
0x19: {  	s20 =	sadd.s32 $0xAB, s22  }
0x1a: {  	s20 =	sshrl.u32 s20, $0x9  }
0x1b: {  	s20 =	sand.u32 $0x7F, s20  }
0x1c: {  	s23 =	smul.u32 $0x3, s20  }
0x1d: {  	s20 =	sadd.s32 $0x1, s21  }
0x1e: {  	s23 =	ssub.s32 s20, s23  }
0x1f: {  	p0 =	slt.u32 s21, $0x2;
	s23 =	sand.u32 $0xFF, s23  }
0x20: {  	s22 =	sshrl.u32 s22, $0x9;
	s24 =	sadd.s32 @!p0 $0x4, s23  }
0x21: {  	p1 =	seq.s32 @!p0 s21, $0x1F;
	s22 =	sand.u32 $0x7F, s22;
	_ =	swait.ge @!p0 [sflag:s24], $0x6400  }
0x22: {  	p1 =	por p0, !p1;
	s22 =	smul.u32 $0x3, s22;
	[sflag:s24] =	ssyncset.done @!p0 $0x0  }
0x23: {  	[sflag:s24] =	ssyncadd.s32 @!p0 $0xFFFF9C00;
	s24 =	smul.u32 @p1 $0x19000, s23  }
0x24: {  	s25 =	smul.u32 @p1 $0x320, s20;
	s22 =	ssub.s32 s21, s22  }
0x25: {  	s22 =	sand.u32 $0xFF, s22;
	s24 =	sshrl.u32 @p1 s24, $0x2  }
0x26: {  	s25 =	sshra.s32 @p1 s25, $0x2;
	s23 =	sadd.s32 @p1 $0x1, s23;
	s26 =	sadd.s32 @p1 $0x1900, s24  }
0x27: {  	[tilespmem:s26], [sflag:s23] =	stream.indirect.gather @p1 [hbm4b:s1+s12], $0x80, s25, s12, $0xb8;
	[tilespmem:$0x1C200] =	vst v63  }
0x28: {  	s24 =	sadd.s32 @p1 $0x5900, s24;
	s25 =	sadd.s32 @p1 $0x80, s25;
	s26 =	sadd.s32 $0x1, s22  }
0x29: {  	[tilespmem:s24], [sflag:s23] =	stream.indirect.gather @p1 [hbm4b:s1+s13], $0x80, s25, s13, $0xb8;
	[tilespmem:$0x1C200] =	vst v63  }
0x2a: {  	s30 =	smulhi.u32 $0xAAAAAAAB, s21;
	_ =	swait.ge [sflag:s26], $0x6400  }
0x2b: {  	[sflag:s26] =	ssyncset.done $0x0  }
0x2c: {  	s24 =	sshrl.u32 s30, $0x1;
	s23 =	simm.s32 $0x0;
	[sflag:s26] =	ssyncadd.s32 $0xFFFF9C00  }
0x2d: {  	s24 =	smul.u32 $0xFFFB5000, s24;
	v1 =	vld [tilespmem:s23+$0x14680]  }
0x2e: {  	v2 =	vld [tilespmem:s23+$0x14500]  }
0x2f: {  	s24 =	sshra.s32 s24, $0x2;
	v3 =	vld [tilespmem:s23+$0x14580]  }
0x30: {  	s25 =	sadd.s32 s24, s19  }
0x31: {  	v4 =	vld [tilespmem:s23+$0x14600];
	s24 =	sadd.s32 $0x0, s25  }
0x32: {  	[tilespmem:s24+$0x180] =	vst.add.f32.msk $0xffff, v1  }
0x33: {  	[tilespmem:s24+$0x0] =	vst.add.f32.msk $0xffff, v2  }
0x34: {  	[tilespmem:s24+$0x80] =	vst.add.f32.msk $0xffff, v3  }
0x35: {  	v1 =	vld [tilespmem:s23+$0x14690]  }
0x36: {  	v2 =	vld [tilespmem:s23+$0x14510]  }
0x37: {  	v3 =	vld [tilespmem:s23+$0x14590]  }
0x38: {  	[tilespmem:s24+$0x100] =	vst.add.f32.msk $0xffff, v4  }
0x39: {  	v4 =	vld [tilespmem:s23+$0x14610]  }
0x3a: {  	[tilespmem:s24+$0x190] =	vst.add.f32.msk $0xffff, v1  }
0x3b: {  	[tilespmem:s24+$0x10] =	vst.add.f32.msk $0xffff, v2  }
0x3c: {  	[tilespmem:s24+$0x90] =	vst.add.f32.msk $0xffff, v3  }
0x3d: {  	v1 =	vld [tilespmem:s23+$0x146A0]  }
0x3e: {  	v2 =	vld [tilespmem:s23+$0x14520]  }
0x3f: {  	v3 =	vld [tilespmem:s23+$0x145A0]  }
0x40: {  	[tilespmem:s24+$0x110] =	vst.add.f32.msk $0xffff, v4  }
0x41: {  	v4 =	vld [tilespmem:s23+$0x14620]  }
0x42: {  	[tilespmem:s24+$0x1A0] =	vst.add.f32.msk $0xffff, v1  }
0x43: {  	[tilespmem:s24+$0x20] =	vst.add.f32.msk $0xffff, v2  }
0x44: {  	[tilespmem:s24+$0xA0] =	vst.add.f32.msk $0xffff, v3  }
0x45: {  	v1 =	vld [tilespmem:s23+$0x146B0]  }
0x46: {  	v2 =	vld [tilespmem:s23+$0x14530]  }
0x47: {  	[tilespmem:s24+$0x120] =	vst.add.f32.msk $0xffff, v4  }
0x48: {  	v3 =	vld [tilespmem:s23+$0x145B0]  }
0x49: {  	v4 =	vld [tilespmem:s23+$0x14630]  }
0x4a: {  	[tilespmem:s24+$0x1B0] =	vst.add.f32.msk $0xffff, v1  }
0x4b: {  	[tilespmem:s24+$0x30] =	vst.add.f32.msk $0xffff, v2  }
0x4c: {  	v1 =	vld [tilespmem:s23+$0x146C0]  }
0x4d: {  	[tilespmem:s24+$0xB0] =	vst.add.f32.msk $0xffff, v3  }
0x4e: {  	[tilespmem:s24+$0x130] =	vst.add.f32.msk $0xffff, v4  }
0x4f: {  	v2 =	vld [tilespmem:s23+$0x14540]  }
0x50: {  	v3 =	vld [tilespmem:s23+$0x145C0]  }
0x51: {  	[tilespmem:s24+$0x1C0] =	vst.add.f32.msk $0xffff, v1  }
0x52: {  	v1 =	vld [tilespmem:s23+$0x146D0]  }
0x53: {  	v4 =	vld [tilespmem:s23+$0x14640]  }
0x54: {  	[tilespmem:s24+$0x40] =	vst.add.f32.msk $0xffff, v2  }
0x55: {  	[tilespmem:s24+$0xC0] =	vst.add.f32.msk $0xffff, v3  }
0x56: {  	v2 =	vld [tilespmem:s23+$0x145D0]  }
0x57: {  	[tilespmem:s24+$0x1D0] =	vst.add.f32.msk $0xffff, v1  }
0x58: {  	v1 =	vld [tilespmem:s23+$0x146E0]  }
0x59: {  	[tilespmem:s24+$0x140] =	vst.add.f32.msk $0xffff, v4  }
0x5a: {  	v3 =	vld [tilespmem:s23+$0x14650];
	_ =	sdelay $0x1  }
0x5b: {  	[tilespmem:s24+$0xD0] =	vst.add.f32.msk $0xffff, v2  }
0x5c: {  	[tilespmem:s24+$0x1E0] =	vst.add.f32.msk $0xffff, v1  }
0x5d: {  	v1 =	vld [tilespmem:s23+$0x14550]  }
0x5e: {  	[tilespmem:s24+$0x150] =	vst.add.f32.msk $0xffff, v3  }
0x5f: {  	v3 =	vld [tilespmem:s23+$0x145E0]  }
0x60: {  	v5 =	vld [tilespmem:s23+$0x14660]  }
0x61: {  	v63 =	vld [tilespmem:s23+$0x146F0]  }
0x62: {  	[tilespmem:s24+$0x50] =	vst.add.f32.msk $0xffff, v1  }
0x63: {  	v1 =	vld [tilespmem:s23+$0x14560];
	_ =	sdelay $0x1  }
0x64: {  	[tilespmem:s24+$0xE0] =	vst.add.f32.msk $0xffff, v3  }
0x65: {  	[tilespmem:s24+$0x160] =	vst.add.f32.msk $0xffff, v5  }
0x66: {  	s31 =	smul.u32 $0x19000, s22;
	[tilespmem:s24+$0x1F0] =	vst.add.f32.msk $0xffff, v63  }
0x67: {  	[tilespmem:s24+$0x60] =	vst.add.f32.msk $0xffff, v1  }
0x68: {  	s26 =	sshrl.u32 s31, $0x2;
	v1 =	vld [tilespmem:s23+$0x145F0]  }
0x69: {  	s28 =	simm.s32 $0x0;
	s29 =	simm.s32 $0x800;
	s26 =	sadd.s32 $0x1900, s26;
	v2 =	vld [tilespmem:s23+$0x14570]  }
.LBB2_3:
0x6a: {  	s28 =	sadd.s32 $0x4, s28;
	v3 =	vld [tilespmem:s23+$0x14670];
	s23 =	sshra.s32 s29, $0x2  }
0x6b: {  	v4 =	vld [tilespmem:s23+$0x14680];
	p0 =	slt.u32 s28, $0xC4  }
0x6c: {  	v5 =	vld [tilespmem:s23+$0x14500]  }
0x6d: {  	v6 =	vld [tilespmem:s23+$0x14580]  }
0x6e: {  	v7 =	vld [tilespmem:s23+$0x14600]  }
0x6f: {  	s30 =	sadd.s32 s23, s25;
	[tilespmem:s24+$0x70] =	vst.add.f32.msk $0xffff, v2  }
0x70: {  	[tilespmem:s30+$0x180] =	vst.add.f32.msk $0xffff, v4  }
0x71: {  	v2 =	vld [tilespmem:s23+$0x14690]  }
0x72: {  	[tilespmem:s30+$0x0] =	vst.add.f32.msk $0xffff, v5  }
0x73: {  	[tilespmem:s30+$0x80] =	vst.add.f32.msk $0xffff, v6  }
0x74: {  	[tilespmem:s30+$0x100] =	vst.add.f32.msk $0xffff, v7  }
0x75: {  	v4 =	vld [tilespmem:s23+$0x14510]  }
0x76: {  	[tilespmem:s30+$0x190] =	vst.add.f32.msk $0xffff, v2  }
0x77: {  	v2 =	vld [tilespmem:s23+$0x146A0]  }
0x78: {  	v5 =	vld [tilespmem:s23+$0x14590]  }
0x79: {  	v6 =	vld [tilespmem:s23+$0x14610]  }
0x7a: {  	[tilespmem:s30+$0x10] =	vst.add.f32.msk $0xffff, v4  }
0x7b: {  	v4 =	vld [tilespmem:s23+$0x14520]  }
0x7c: {  	[tilespmem:s30+$0x1A0] =	vst.add.f32.msk $0xffff, v2  }
0x7d: {  	v2 =	vld [tilespmem:s23+$0x146B0]  }
0x7e: {  	[tilespmem:s30+$0x90] =	vst.add.f32.msk $0xffff, v5  }
0x7f: {  	[tilespmem:s30+$0x110] =	vst.add.f32.msk $0xffff, v6  }
0x80: {  	v5 =	vld [tilespmem:s23+$0x145A0]  }
0x81: {  	v6 =	vld [tilespmem:s23+$0x14620]  }
0x82: {  	[tilespmem:s30+$0x1B0] =	vst.add.f32.msk $0xffff, v2  }
0x83: {  	v2 =	vld [tilespmem:s23+$0x146C0]  }
0x84: {  	[tilespmem:s30+$0x20] =	vst.add.f32.msk $0xffff, v4  }
0x85: {  	[tilespmem:s30+$0xA0] =	vst.add.f32.msk $0xffff, v5  }
0x86: {  	[tilespmem:s30+$0x120] =	vst.add.f32.msk $0xffff, v6  }
0x87: {  	v4 =	vld [tilespmem:s23+$0x14530]  }
0x88: {  	[tilespmem:s30+$0x1C0] =	vst.add.f32.msk $0xffff, v2  }
0x89: {  	v2 =	vld [tilespmem:s23+$0x146D0]  }
0x8a: {  	v5 =	vld [tilespmem:s23+$0x145B0]  }
0x8b: {  	v6 =	vld [tilespmem:s23+$0x14630]  }
0x8c: {  	[tilespmem:s30+$0x30] =	vst.add.f32.msk $0xffff, v4  }
0x8d: {  	v4 =	vld [tilespmem:s23+$0x14540]  }
0x8e: {  	[tilespmem:s30+$0x1D0] =	vst.add.f32.msk $0xffff, v2  }
0x8f: {  	v2 =	vld [tilespmem:s23+$0x146E0]  }
0x90: {  	[tilespmem:s30+$0xB0] =	vst.add.f32.msk $0xffff, v5  }
0x91: {  	[tilespmem:s30+$0x130] =	vst.add.f32.msk $0xffff, v6  }
0x92: {  	v5 =	vld [tilespmem:s23+$0x145C0]  }
0x93: {  	v6 =	vld [tilespmem:s23+$0x14640]  }
0x94: {  	[tilespmem:s30+$0x1E0] =	vst.add.f32.msk $0xffff, v2  }
0x95: {  	v2 =	vld [tilespmem:s23+$0x146F0]  }
0x96: {  	[tilespmem:s30+$0x40] =	vst.add.f32.msk $0xffff, v4  }
0x97: {  	[tilespmem:s30+$0xC0] =	vst.add.f32.msk $0xffff, v5  }
0x98: {  	[tilespmem:s30+$0x140] =	vst.add.f32.msk $0xffff, v6  }
0x99: {  	v4 =	vld [tilespmem:s23+$0x14550]  }
0x9a: {  	[tilespmem:s30+$0x1F0] =	vst.add.f32.msk $0xffff, v2  }
0x9b: {  	v2 =	vld [tilespmem:s23+$0x145D0]  }
0x9c: {  	v5 =	vld [tilespmem:s23+$0x14650]  }
0x9d: {  	[tilespmem:s24+$0xF0] =	vst.add.f32.msk $0xffff, v1  }
0x9e: {  	[tilespmem:s30+$0x50] =	vst.add.f32.msk $0xffff, v4  }
0x9f: {  	v1 =	vld [tilespmem:s23+$0x14560]  }
0xa0: {  	[tilespmem:s30+$0xD0] =	vst.add.f32.msk $0xffff, v2  }
0xa1: {  	[tilespmem:s30+$0x150] =	vst.add.f32.msk $0xffff, v5  }
0xa2: {  	v4 =	vld [tilespmem:s23+$0x145E0]  }
0xa3: {  	v5 =	vld [tilespmem:s23+$0x14660]  }
0xa4: {  	[tilespmem:s30+$0x60] =	vst.add.f32.msk $0xffff, v1  }
.Ltmp0:
0xa5: {  	v2 =	vld [tilespmem:s23+$0x14570];
	(pc) =	sbr.rel @p0 .LBB2_3-.Ltmp0, $4  }
0xa6: {  	[tilespmem:s24+$0x170] =	vst.add.f32.msk $0xffff, v3;
	s24 =	smov.u32 s30  }
0xa7: {  	[tilespmem:s24+$0xE0] =	vst.add.f32.msk $0xffff, v4  }
0xa8: {  	[tilespmem:s24+$0x160] =	vst.add.f32.msk $0xffff, v5  }
0xa9: {  	s29 =	sadd.s32 $0x800, s29;
	v1 =	vld [tilespmem:s23+$0x145F0]  }
0xaa: {  	v3 =	vld [tilespmem:s23+$0x14670]  }
0xab: {  	s21 =	smul.u32 $0xC8, s21  }
0xac: {  	p0 =	sne.s32 s20, $0x20  }
.Ltmp1:
0xad: {  	[tilespmem:s24+$0x70] =	vst.add.f32.msk $0xffff, v2;
	s21 =	sadd.s32 s5, s21;
	(pc) =	sbr.rel @p0 .LBB2_2-.Ltmp1, $4  }
0xae: {  	s21 =	sshll.u32 s21, $0x4;
	[tilespmem:s24+$0xF0] =	vst.add.f32.msk $0xffff, v1  }
0xaf: {  	s22 =	sadd.s32 $0x4, s22;
	s31 =	simm.s32 $0x0;
	s21 =	sadd.s32 s4, s21;
	[tilespmem:s24+$0x170] =	vst.add.f32.msk $0xffff, v3  }
0xb0: {  	[hbm4b:s21+s31] =	stream.linear.scatter [tilespmem:s26], [sflag:s22], $0x6400, $0x38;
	[tilespmem:$0x1C200] =	vst v63  }
0xb1: {  	s19 =	sadd.s32 $0x6400, s19;
	s21 =	smov.u32 s20  }
0xb2: {  	s19 =	simm.s32 $0x0  }
0xb3: {  	v1 =	vld [tilespmem:s19+$0x0]  }
0xb4: {  	s20 =	simm.s32 $0x40  }
.LBB2_6:
0xb5: {  	p0 =	sne.s32 s20, $0x63C0  }
.Ltmp2:
0xb6: {  	_ = 	snop;
	(pc) =	sbr.rel @p0 .LBB2_6-.Ltmp2, $4  }
0xb7: {  	_ = 	snop  }
0xb8: {  	s21 =	sshra.s32 s20, $0x2;
	s20 =	sadd.s32 $0x40, s20;
	vm0 =	veq.s32 v1, $0x0  }
0xb9: {  	v1 =	vld [tilespmem:s21+$0x0];
	v2 =	vsel vm0, $0x1, v0  }
0xba: {  	[tilespmem:s19+$0x1A900] =	vst v2;
	s19 =	smov.u32 s21  }
0xbb: {  	_ =	sdelay $0x2  }
0xbc: {  	vm0 =	veq.s32 v1, $0x0  }
0xbd: {  	v1 =	vsel vm0, $0x1, v0  }
0xbe: {  	[tilespmem:s19+$0x1A900] =	vst v1  }
0xbf: {  	[hbm4b:s8+s6] =	stream.linear.scatter [tilespmem:s15], [sflag:$0x7], $0x1900, $0x38;
	[tilespmem:$0x1C200] =	vst v63  }
0xc0: {  	_ =	swait.ge [sflag:s10], $0x1900  }
0xc1: {  	[sflag:s10] =	ssyncset.done $0x0  }
0xc2: {  	s18 =	sadd.s32 $0x1, s18;
	[sflag:s10] =	ssyncadd.s32 $0xFFFFE700  }
0xc3: {  	p0 =	sne.s32 s18, s9;
	_ =	swait.ge [sflag:s16], $0x6400  }
.Ltmp3:
0xc4: {  	[sflag:s16] =	ssyncset.done $0x0;
	(pc) =	sbr.rel @p0 .LBB2_1-.Ltmp3, $4  }
0xc5: {  	[sflag:s16] =	ssyncadd.s32 $0xFFFF9C00  }
0xc6: {  	_ =	swait.ge [sflag:s17], $0x6400  }
0xc7: {  	[sflag:s17] =	ssyncset.done $0x0  }
0xc8: {  	[sflag:s17] =	ssyncadd.s32 $0xFFFF9C00  }
0xc9: {  	_ =	sfence.sel $0x180000  }
0xca: {  	[bflag:$0x0] =	sbarrier.arrive $0xFFFF  }
0xcb: {  	p0 =	sne.s32 s0, $0x0;
	_ =	strace $0x90000047  }
0xcc: {  	s0 =	sadd.s32 @!p0 $0x100000, s2;
	[bflag:$0x2] =	sbarrier.arrive $0xFFFF  }
0xcd: {  	[sflag:s0] =	ssyncadd.tile.s32 @!p0 $0x1;
	_ =	shalt  }
.Lfunc_end2:
_tile_overlayer_lowered:
.L_overlay_start_2:
0xce: {  	(tag) =	ssettag $0x2  }
0xcf: {  	s0 =	rddreg [dreg:$0x0];
	s2 =	stileid.u32  }
0xd0: {  	s1 =	rddreg [dreg:$0x1];
	p0 =	sne.s32 s2, $0x0  }
0xd1: {  	s3 =	rddreg [dreg:$0x2];
	[bflag:$0x3] =	sbarrier.arrive $0xFFFF;
	s2 =	simm.s32 @!p0 $0x1C07  }
0xd2: {  	[timem:s3], [sflag:s2] =	dma.local @!p0 [hbm:s0], s1  }
0xd3: {  	s0 =	simm.s32 @!p0 $0x7  }
0xd4: {  	_ =	swait.ge @!p0 [sflag:s0], s1  }
0xd5: {  	s1 =	ssub.s32 @!p0 $0x0, s1;
	[sflag:s0] =	ssyncset.done @!p0 $0x0  }
0xd6: {  	[sflag:s0] =	ssyncadd.s32 @!p0 s1  }
0xd7: {  	[bflag:$0x3] =	sbarrier.arrive $0xFFFF  }
0xd8: {  	_ =	shalt  }

</sc_bundles>
